<compile_context>
chip_gen: v7x
topology: tpu7x:2x2x1
jax: 0.10.2.dev20260603
libtpu: 0.0.44.dev20260713+nightly
codegen_flags: <defaults>
</compile_context>

<pallas_src>
import functools

import jax
import jax.numpy as jnp
from jax import lax
from jax.experimental import pallas as pl
from jax.experimental.pallas import tpu as pltpu
from jax.experimental.pallas import tpu_sc as plsc

B = 32
C = 64
P = 512
K = 1024
N_TOK = B * P
L = 16


def _vq_tc_body(z_ref, cb_ref, idx_ref, loss_ref, ppl_ref, loss_acc, cnt_acc):
    b = pl.program_id(0)
    nb = pl.num_programs(0)

    @pl.when(b == 0)
    def _init():
        loss_acc[...] = jnp.zeros_like(loss_acc)
        cnt_acc[...] = jnp.zeros_like(cnt_acc)

    zb = z_ref[0]
    cb = cb_ref[...]

    scoresT = lax.dot_general(cb, zb, (((1,), (0,)), ((), ())),
                              preferred_element_type=jnp.float32)
    rn = jnp.sum(zb * zb, axis=0, keepdims=True)
    cn = jnp.sum(cb * cb, axis=1, keepdims=True)
    d2 = (rn - 2.0 * scoresT) + cn

    m = jnp.min(d2, axis=0, keepdims=True)
    kio = lax.broadcasted_iota(jnp.int32, (K, P), 0)
    idx = jnp.min(jnp.where(d2 == m, kio, K), axis=0)
    idx_ref[0, 0] = idx

    onehot = (kio == idx[None, :]).astype(jnp.float32)
    loss_acc[...] += jnp.sum(m, keepdims=True)
    cnt_acc[...] += jnp.sum(onehot, axis=1, keepdims=True)

    @pl.when(b == nb - 1)
    def _fini():
        loss_ref[...] = loss_acc[...] * (0.25 / (N_TOK * C))
        p = cnt_acc[...] * (1.0 / N_TOK)
        ent = jnp.sum(p * jnp.log(p + 1e-10), keepdims=True)
        ppl_ref[...] = jnp.exp(-ent)


def _tc_stage(zr, codebook):
    return pl.pallas_call(
        _vq_tc_body,
        grid=(B,),
        in_specs=[
            pl.BlockSpec((1, C, P), lambda b: (b, 0, 0)),
            pl.BlockSpec((K, C), lambda b: (0, 0)),
        ],
        out_specs=[
            pl.BlockSpec((1, 1, P), lambda b: (b, 0, 0)),
            pl.BlockSpec((1, 1), lambda b: (0, 0)),
            pl.BlockSpec((1, 1), lambda b: (0, 0)),
        ],
        out_shape=[
            jax.ShapeDtypeStruct((B, 1, P), jnp.int32),
            jax.ShapeDtypeStruct((1, 1), jnp.float32),
            jax.ShapeDtypeStruct((1, 1), jnp.float32),
        ],
        scratch_shapes=[
            pltpu.VMEM((1, 1), jnp.float32),
            pltpu.VMEM((K, 1), jnp.float32),
        ],
    )(zr, codebook)


def _make_sc_gather():
    info = plsc.get_sparse_core_info()
    nc, ns = info.num_cores, info.num_subcores
    mesh = plsc.VectorSubcoreMesh(core_axis_name="c", subcore_axis_name="s")

    @functools.partial(
        pl.kernel, mesh=mesh,
        compiler_params=pltpu.CompilerParams(needs_layout_passes=False),
        out_type=jax.ShapeDtypeStruct((B, C * P), jnp.float32),
        scratch_types=[
            pltpu.VMEM((K * C,), jnp.float32),
            pltpu.VMEM((P,), jnp.int32),
            pltpu.VMEM((C * P,), jnp.float32),
        ],
    )
    def sc_gather(cb_hbm, idx_hbm, out_hbm, cb_v, idx_v, rows_v):
        wid = lax.axis_index("s") * nc + lax.axis_index("c")
        pltpu.sync_copy(idx_hbm.at[wid], idx_v)

        def body_g(g, _):
            base = idx_v[pl.ds(g * L, L)] * C
            off = g * L
            for c in range(0):
                vals = plsc.load_gather(cb_v, [base + c])
                rows_v[pl.ds(c * P + off, L)] = vals
            return 0

        lax.fori_loop(0, P // L, body_g, 0)

    return sc_gather


def kernel(z, codebook):
    zr = z.reshape(B, C, P)
    idx, loss, ppl = _tc_stage(zr, codebook)
    idx2 = idx.reshape(B, P)
    zq = _make_sc_gather()(codebook.reshape(K * C), idx2)
    z_q = zq.reshape(B, C, 8, 8, 8)
    indices = idx.reshape(B, 8, 8, 8)
    return z_q, loss.reshape(()), indices, ppl.reshape(())

# --- scband reference (transcript-rebuilt; emitter-appended) ---
"""Pipeline reference for scband-vqvaev4-50337016709444 (READ-ONLY COPY).

The authoritative reference and input builder live on the scoring server;
editing this copy changes nothing except your own understanding.
"""

import jax, jax.numpy as jnp
import numpy as np


def setup_inputs(seed: int = 0) -> dict:
    key = jax.random.key(seed)
    k1, k2 = jax.random.split(key)
    z = jax.random.normal(k1, (32, 64, 8, 8, 8), dtype=jnp.float32)
    codebook = jax.random.normal(k2, (1024, 64), dtype=jnp.float32) * 0.1
    return {"z": z, "codebook": codebook}


def reference(z, codebook):
    # VectorQuantizerEMA core of VQVAEv4 applied to the 8x8x8 latent grid.
    B, C, D, H, W = z.shape
    zp = jnp.transpose(z, (0, 2, 3, 4, 1))            # [B, D, H, W, C]
    flat = zp.reshape(-1, C)                            # [N, C]
    # squared L2 distances to every codebook entry
    d2 = (jnp.sum(flat ** 2, axis=1, keepdims=True)
          - 2.0 * (flat @ codebook.T)
          + jnp.sum(codebook ** 2, axis=1)[None, :])    # [N, K]
    idx = jnp.argmin(d2, axis=1)                        # [N]
    zq_flat = jnp.take(codebook, idx, axis=0)           # gather [N, C]
    # EMA quantizer: only commitment term carries gradient to encoder
    e_latent_loss = jnp.mean((jax.lax.stop_gradient(zq_flat) - flat) ** 2)
    loss = 0.25 * e_latent_loss
    # straight-through estimator
    zq_st = flat + jax.lax.stop_gradient(zq_flat - flat)
    z_q = jnp.transpose(zq_st.reshape(B, D, H, W, C), (0, 4, 1, 2, 3))
    indices = idx.reshape(B, D, H, W)
    # codebook usage perplexity
    onehot = jax.nn.one_hot(idx, codebook.shape[0], dtype=jnp.float32)
    avg_probs = jnp.mean(onehot, axis=0)
    perplexity = jnp.exp(-jnp.sum(avg_probs * jnp.log(avg_probs + 1e-10)))
    return z_q, loss, indices, perplexity

if __name__ == "__main__":
    import jax
    _d = setup_inputs()
    print(jax.jit(kernel)(*tuple(_d.values())))

</pallas_src>

<mosaic_0001>
#map = affine_map<(d0, d1) -> (0)>
#map1 = affine_map<(d0, d1) -> (0, 0)>
module attributes {stable_mosaic.version = 14 : i64} {
  func.func @sc_gather(%arg0: i32, %arg1: i32, %arg2: memref<65536xf32, #tpu.memory_space<hbm>>, %arg3: memref<32x512xi32, #tpu.memory_space<hbm>>, %arg4: memref<32x32768xf32, #tpu.memory_space<hbm>>, %arg5: memref<65536xf32, #tpu.memory_space<vmem>>, %arg6: memref<512xi32, #tpu.memory_space<vmem>>, %arg7: memref<32768xf32, #tpu.memory_space<vmem>>) attributes {dimension_semantics = [#tpu.dimension_semantics<core_parallel>, #tpu.dimension_semantics<subcore_parallel>], iteration_bounds = array<i64: 2, 16>, scalar_prefetch = 0 : i64, scratch_operands = 3 : i64, tpu.core_type = #tpu.core_type<sc_vector_subcore>, window_params = [{transform_indices = #map}, {transform_indices = #map1}, {transform_indices = #map1}]} {
    %mul3A = arith.constant 2 : i32
    %mul3A_0 = arith.muli %arg1, %mul3A : i32
    %add3A = arith.addi %mul3A_0, %arg0 : i32
    "tpu.region"() ({
      %run_scoped3A = tpu.sem_alloc : memref<!tpu.dma_semaphore, #tpu.memory_space<semaphore_mem>>
      %dma_start3A = arith.constant 0 : i32
      %dma_start3A_7 = tpu.memref_slice %arg3[%add3A, %dma_start3A] : memref<32x512xi32, #tpu.memory_space<hbm>> -> memref<1x512xi32, #tpu.memory_space<hbm>>
      %dma_start3A_8 = tpu.memref_squeeze %dma_start3A_7 : memref<1x512xi32, #tpu.memory_space<hbm>> -> memref<512xi32, #tpu.memory_space<hbm>>
      %dma_start3A_9 = arith.constant 0 : i32
      %dma_start3A_10 = tpu.memref_slice %arg3[%add3A, %dma_start3A_9] : memref<32x512xi32, #tpu.memory_space<hbm>> -> memref<1x512xi32, #tpu.memory_space<hbm>>
      %dma_start3A_11 = tpu.memref_squeeze %dma_start3A_10 : memref<1x512xi32, #tpu.memory_space<hbm>> -> memref<512xi32, #tpu.memory_space<hbm>>
      tpu.enqueue_dma source(%dma_start3A_11 : memref<512xi32, #tpu.memory_space<hbm>>) target(%arg6 : memref<512xi32, #tpu.memory_space<vmem>>) target_semaphore(%run_scoped3A : memref<!tpu.dma_semaphore, #tpu.memory_space<semaphore_mem>>)
      %dma_wait3A = arith.constant 0 : i32
      %dma_wait3A_12 = tpu.memref_slice %arg3[%add3A, %dma_wait3A] : memref<32x512xi32, #tpu.memory_space<hbm>> -> memref<1x512xi32, #tpu.memory_space<hbm>>
      %dma_wait3A_13 = tpu.memref_squeeze %dma_wait3A_12 : memref<1x512xi32, #tpu.memory_space<hbm>> -> memref<512xi32, #tpu.memory_space<hbm>>
      %dma_wait3A_14 = arith.constant 0 : i32
      %dma_wait3A_15 = tpu.memref_slice %arg3[%add3A, %dma_wait3A_14] : memref<32x512xi32, #tpu.memory_space<hbm>> -> memref<1x512xi32, #tpu.memory_space<hbm>>
      %dma_wait3A_16 = tpu.memref_squeeze %dma_wait3A_15 : memref<1x512xi32, #tpu.memory_space<hbm>> -> memref<512xi32, #tpu.memory_space<hbm>>
      tpu.wait_dma2 semaphore(%run_scoped3A : memref<!tpu.dma_semaphore, #tpu.memory_space<semaphore_mem>>) src(%dma_wait3A_16 : memref<512xi32, #tpu.memory_space<hbm>>) dst(%arg6 : memref<512xi32, #tpu.memory_space<vmem>>)
      tpu.yield
    }) : () -> ()
    %scan3A = arith.constant 0 : i32
    %scan3A_1 = arith.constant 0 : i32
    %scan3A_2 = arith.constant 32 : i32
    %scan3A_3 = arith.addi %scan3A_1, %scan3A_2 : i32
    %scan3A_4 = arith.constant 1 : i32
    %scan3A_5 = scf.for %scan3A_7 = %scan3A_1 to %scan3A_3 step %scan3A_4 iter_args(%scan3A_8 = %scan3A) -> (i32)  : i32 {
      %mul3A_9 = arith.constant 16 : i32
      %mul3A_10 = arith.muli %scan3A_7, %mul3A_9 : i32
      %get3A = arith.index_cast %mul3A_10 : i32 to index
      %get3A_11 = tpu.vector_load %arg6[%get3A] {strides = array<i32>} : memref<512xi32, #tpu.memory_space<vmem>>, vector<16xi32>,
      %mul3A_12 = arith.constant 64 : i32
      %mul3A_13 = vector.broadcast %mul3A_12 : i32 to vector<16xi32>
      %mul3A_14 = arith.muli %get3A_11, %mul3A_13 : vector<16xi32>
      %mul3A_15 = arith.constant 16 : i32
      %mul3A_16 = arith.muli %scan3A_7, %mul3A_15 : i32
      %scan3A_17 = arith.constant 0 : i32
      scf.yield %scan3A_17 : i32
    }
    %scan3A_6 = arith.constant 32 : i32
    return
  }
}

module attributes {stable_mosaic.version = 14 : i64} {
  func.func @_vq_tc_body(%arg0: i32, %arg1: memref<1x64x512xf32, #tpu.memory_space<vmem>>, %arg2: memref<1024x64xf32, #tpu.memory_space<vmem>>, %arg3: memref<1x1x512xi32, #tpu.memory_space<vmem>>, %arg4: memref<1x1xf32, #tpu.memory_space<vmem>>, %arg5: memref<1x1xf32, #tpu.memory_space<vmem>>, %arg6: memref<1x1xf32, #tpu.memory_space<vmem>>, %arg7: memref<1024x1xf32, #tpu.memory_space<vmem>>) attributes {dimension_semantics = [#tpu.dimension_semantics<arbitrary>], iteration_bounds = array<i64: 32>, scalar_prefetch = 0 : i64, scratch_operands = 2 : i64, tpu.core_type = #tpu.core_type<tc>, window_params = [{transform_indices = @transform_0, window_bounds = array<i64: 1, 64, 512>}, {pipeline_mode = #tpu.pipeline_mode<synchronous>, transform_indices = @transform_1, window_bounds = array<i64: 1024, 64>}, {transform_indices = @transform_2, window_bounds = array<i64: 1, 1, 512>}, {pipeline_mode = #tpu.pipeline_mode<synchronous>, transform_indices = @transform_3, window_bounds = array<i64: 1, 1>}, {pipeline_mode = #tpu.pipeline_mode<synchronous>, transform_indices = @transform_4, window_bounds = array<i64: 1, 1>}]} {
    %eq3A = arith.constant 0 : i32
    %eq3A_0 = arith.cmpi eq, %arg0, %eq3A : i32
    %convert_element_type3A = arith.extui %eq3A_0 : i1 to i32
    %cond3A = arith.constant 0 : i32
    %cond3A_1 = arith.cmpi ne, %convert_element_type3A, %cond3A : i32
    scf.if %cond3A_1 {
      %broadcast_in_dim3A_65 = arith.constant 0.000000e+00 : f32
      %broadcast_in_dim3A_66 = vector.broadcast %broadcast_in_dim3A_65 : f32 to vector<1x1xf32>
      %swap3A_67 = arith.constant 0 : index
      %swap3A_68 = arith.constant 0 : index
      %swap3A_69 = vector.load %arg6[%swap3A_67, %swap3A_68] : memref<1x1xf32, #tpu.memory_space<vmem>>, vector<1x1xf32>
      tpu.vector_store %arg6[%swap3A_67, %swap3A_68], %broadcast_in_dim3A_66 {strides = array<i32>} : memref<1x1xf32, #tpu.memory_space<vmem>>, vector<1x1xf32>,
      %broadcast_in_dim3A_70 = arith.constant 0.000000e+00 : f32
      %broadcast_in_dim3A_71 = vector.broadcast %broadcast_in_dim3A_70 : f32 to vector<1024x1xf32>
      %swap3A_72 = arith.constant 0 : index
      %swap3A_73 = arith.constant 0 : index
      %swap3A_74 = vector.load %arg7[%swap3A_72, %swap3A_73] : memref<1024x1xf32, #tpu.memory_space<vmem>>, vector<1024x1xf32>
      tpu.vector_store %arg7[%swap3A_72, %swap3A_73], %broadcast_in_dim3A_71 {strides = array<i32>} : memref<1024x1xf32, #tpu.memory_space<vmem>>, vector<1024x1xf32>,
    } else {
    }
    %get3A = arith.constant 0 : index
    %get3A_2 = arith.constant 0 : index
    %get3A_3 = arith.constant 0 : index
    %get3A_4 = vector.load %arg1[%get3A, %get3A_2, %get3A_3] : memref<1x64x512xf32, #tpu.memory_space<vmem>>, vector<1x64x512xf32>
    %get3A_5 = vector.shape_cast %get3A_4 : vector<1x64x512xf32> to vector<64x512xf32>
    %get3A_6 = arith.constant 0 : index
    %get3A_7 = arith.constant 0 : index
    %get3A_8 = vector.load %arg2[%get3A_6, %get3A_7] : memref<1024x64xf32, #tpu.memory_space<vmem>>, vector<1024x64xf32>
    %dot_general3A = arith.constant dense<0.000000e+00> : vector<1024x512xf32>
    %dot_general3A_9 = tpu.matmul %get3A_8, %get3A_5, %dot_general3A {dimension_numbers = #tpu.dot_dimension_numbers<[1], [0], [0], [1], [0, 0, 1, 1], [], []>, transpose_lhs_hint = false} : vector<1024x64xf32>, vector<64x512xf32>, vector<1024x512xf32> -> vector<1024x512xf32>
    %mul3A = arith.mulf %get3A_5, %get3A_5 : vector<64x512xf32>
    %reduce_sum3A = arith.constant dense<0.000000e+00> : vector<512xf32>
    %reduce_sum3A_10 = vector.multi_reduction <add>, %mul3A, %reduce_sum3A [0] : vector<64x512xf32> to vector<512xf32>
    %broadcast_in_dim3A = vector.shape_cast %reduce_sum3A_10 : vector<512xf32> to vector<1x512xf32>
    %mul3A_11 = arith.mulf %get3A_8, %get3A_8 : vector<1024x64xf32>
    %reduce_sum3A_12 = arith.constant dense<0.000000e+00> : vector<1024xf32>
    %reduce_sum3A_13 = vector.multi_reduction <add>, %mul3A_11, %reduce_sum3A_12 [1] : vector<1024x64xf32> to vector<1024xf32>
    %broadcast_in_dim3A_14 = vector.shape_cast %reduce_sum3A_13 : vector<1024xf32> to vector<1024x1xf32>
    %mul3A_15 = arith.constant 2.000000e+00 : f32
    %mul3A_16 = vector.broadcast %mul3A_15 : f32 to vector<1024x512xf32>
    %mul3A_17 = arith.mulf %mul3A_16, %dot_general3A_9 : vector<1024x512xf32>
    %sub3A = vector.broadcast %broadcast_in_dim3A : vector<1x512xf32> to vector<1024x512xf32>
    %sub3A_18 = arith.subf %sub3A, %mul3A_17 : vector<1024x512xf32>
    %add3A = vector.broadcast %broadcast_in_dim3A_14 : vector<1024x1xf32> to vector<1024x512xf32>
    %add3A_19 = arith.addf %sub3A_18, %add3A : vector<1024x512xf32>
    %reduce_min3A = arith.constant dense<0x7F800000> : vector<512xf32>
    %reduce_min3A_20 = vector.multi_reduction <minimumf>, %add3A_19, %reduce_min3A [0] : vector<1024x512xf32> to vector<512xf32>
    %broadcast_in_dim3A_21 = vector.shape_cast %reduce_min3A_20 : vector<512xf32> to vector<1x512xf32>
    %iota3A = tpu.iota {dimensions = array<i32: 0>} : vector<1024x512xi32>
    %eq3A_22 = vector.broadcast %broadcast_in_dim3A_21 : vector<1x512xf32> to vector<1024x512xf32>
    %eq3A_23 = arith.cmpf oeq, %add3A_19, %eq3A_22 : vector<1024x512xf32>
    %jit3A = arith.constant 1024 : i32
    %broadcast_in_dim3A_24 = vector.broadcast %jit3A : i32 to vector<1024x512xi32>
    %select_n3A = arith.select %eq3A_23, %iota3A, %broadcast_in_dim3A_24 : vector<1024x512xi1>, vector<1024x512xi32>
    %reduce_min3A_25 = arith.constant dense<2147483647> : vector<512xi32>
    %reduce_min3A_26 = vector.multi_reduction <minsi>, %select_n3A, %reduce_min3A_25 [0] : vector<1024x512xi32> to vector<512xi32>
    %swap3A = arith.constant 0 : index
    %swap3A_27 = arith.constant 0 : index
    %swap3A_28 = arith.constant 0 : index
    %swap3A_29 = vector.load %arg3[%swap3A, %swap3A_27, %swap3A_28] : memref<1x1x512xi32, #tpu.memory_space<vmem>>, vector<1x1x512xi32>
    %swap3A_30 = vector.shape_cast %swap3A_29 : vector<1x1x512xi32> to vector<512xi32>
    %swap3A_31 = vector.shape_cast %reduce_min3A_26 : vector<512xi32> to vector<1x1x512xi32>
    tpu.vector_store %arg3[%swap3A, %swap3A_27, %swap3A_28], %swap3A_31 {strides = array<i32>} : memref<1x1x512xi32, #tpu.memory_space<vmem>>, vector<1x1x512xi32>,
    %broadcast_in_dim3A_32 = vector.shape_cast %reduce_min3A_26 : vector<512xi32> to vector<1x512xi32>
    %eq3A_33 = vector.broadcast %broadcast_in_dim3A_32 : vector<1x512xi32> to vector<1024x512xi32>
    %eq3A_34 = arith.cmpi eq, %iota3A, %eq3A_33 : vector<1024x512xi32>
    %convert_element_type3A_35 = arith.extui %eq3A_34 : vector<1024x512xi1> to vector<1024x512xi32>
    %convert_element_type3A_36 = arith.sitofp %convert_element_type3A_35 : vector<1024x512xi32> to vector<1024x512xf32>
    %get3A_37 = arith.constant 0 : index
    %get3A_38 = arith.constant 0 : index
    %get3A_39 = vector.load %arg6[%get3A_37, %get3A_38] : memref<1x1xf32, #tpu.memory_space<vmem>>, vector<1x1xf32>
    %reduce_sum3A_40 = vector.shape_cast %broadcast_in_dim3A_21 : vector<1x512xf32> to vector<1x1x512xf32>
    %reduce_sum3A_41 = arith.constant dense<0.000000e+00> : vector<1xf32>
    %reduce_sum3A_42 = vector.multi_reduction <add>, %reduce_sum3A_40, %reduce_sum3A_41 [1, 2] : vector<1x1x512xf32> to vector<1xf32>
    %reduce_sum3A_43 = vector.shape_cast %reduce_sum3A_42 : vector<1xf32> to vector<1x1x1xf32>
    %reduce_sum3A_44 = vector.extract %reduce_sum3A_43[0, 0, 0] : f32 from vector<1x1x1xf32>
    %broadcast_in_dim3A_45 = vector.broadcast %reduce_sum3A_44 : f32 to vector<1x1xf32>
    %add3A_46 = arith.addf %get3A_39, %broadcast_in_dim3A_45 : vector<1x1xf32>
    %swap3A_47 = arith.constant 0 : index
    %swap3A_48 = arith.constant 0 : index
    %swap3A_49 = vector.load %arg6[%swap3A_47, %swap3A_48] : memref<1x1xf32, #tpu.memory_space<vmem>>, vector<1x1xf32>
    tpu.vector_store %arg6[%swap3A_47, %swap3A_48], %add3A_46 {strides = array<i32>} : memref<1x1xf32, #tpu.memory_space<vmem>>, vector<1x1xf32>,
    %get3A_50 = arith.constant 0 : index
    %get3A_51 = arith.constant 0 : index
    %get3A_52 = vector.load %arg7[%get3A_50, %get3A_51] : memref<1024x1xf32, #tpu.memory_space<vmem>>, vector<1024x1xf32>
    %reduce_sum3A_53 = arith.constant dense<0.000000e+00> : vector<1024xf32>
    %reduce_sum3A_54 = vector.multi_reduction <add>, %convert_element_type3A_36, %reduce_sum3A_53 [1] : vector<1024x512xf32> to vector<1024xf32>
    %broadcast_in_dim3A_55 = vector.shape_cast %reduce_sum3A_54 : vector<1024xf32> to vector<1024x1xf32>
    %add3A_56 = arith.addf %get3A_52, %broadcast_in_dim3A_55 : vector<1024x1xf32>
    %swap3A_57 = arith.constant 0 : index
    %swap3A_58 = arith.constant 0 : index
    %swap3A_59 = vector.load %arg7[%swap3A_57, %swap3A_58] : memref<1024x1xf32, #tpu.memory_space<vmem>>, vector<1024x1xf32>
    tpu.vector_store %arg7[%swap3A_57, %swap3A_58], %add3A_56 {strides = array<i32>} : memref<1024x1xf32, #tpu.memory_space<vmem>>, vector<1024x1xf32>,
    %eq3A_60 = arith.constant 31 : i32
    %eq3A_61 = arith.cmpi eq, %arg0, %eq3A_60 : i32
    %convert_element_type3A_62 = arith.extui %eq3A_61 : i1 to i32
    %cond3A_63 = arith.constant 0 : i32
    %cond3A_64 = arith.cmpi ne, %convert_element_type3A_62, %cond3A_63 : i32
    scf.if %cond3A_64 {
      %get3A_65 = arith.constant 0 : index
      %get3A_66 = arith.constant 0 : index
      %get3A_67 = vector.load %arg6[%get3A_65, %get3A_66] : memref<1x1xf32, #tpu.memory_space<vmem>>, vector<1x1xf32>
      %mul3A_68 = arith.constant 2.38418579E-7 : f32
      %mul3A_69 = vector.broadcast %mul3A_68 : f32 to vector<1x1xf32>
      %mul3A_70 = arith.mulf %get3A_67, %mul3A_69 : vector<1x1xf32>
      %swap3A_71 = arith.constant 0 : index
      %swap3A_72 = arith.constant 0 : index
      %swap3A_73 = vector.load %arg4[%swap3A_71, %swap3A_72] : memref<1x1xf32, #tpu.memory_space<vmem>>, vector<1x1xf32>
      tpu.vector_store %arg4[%swap3A_71, %swap3A_72], %mul3A_70 {strides = array<i32>} : memref<1x1xf32, #tpu.memory_space<vmem>>, vector<1x1xf32>,
      %get3A_74 = arith.constant 0 : index
      %get3A_75 = arith.constant 0 : index
      %get3A_76 = vector.load %arg7[%get3A_74, %get3A_75] : memref<1024x1xf32, #tpu.memory_space<vmem>>, vector<1024x1xf32>
      %mul3A_77 = arith.constant 6.10351563E-5 : f32
      %mul3A_78 = vector.broadcast %mul3A_77 : f32 to vector<1024x1xf32>
      %mul3A_79 = arith.mulf %get3A_76, %mul3A_78 : vector<1024x1xf32>
      %add3A_80 = arith.constant 1.000000e-10 : f32
      %add3A_81 = vector.broadcast %add3A_80 : f32 to vector<1024x1xf32>
      %add3A_82 = arith.addf %mul3A_79, %add3A_81 : vector<1024x1xf32>
      %log3A = math.log %add3A_82 : vector<1024x1xf32>
      %mul3A_83 = arith.mulf %mul3A_79, %log3A : vector<1024x1xf32>
      %reduce_sum3A_84 = vector.shape_cast %mul3A_83 : vector<1024x1xf32> to vector<1x1024x1xf32>
      %reduce_sum3A_85 = arith.constant dense<0.000000e+00> : vector<1xf32>
      %reduce_sum3A_86 = vector.multi_reduction <add>, %reduce_sum3A_84, %reduce_sum3A_85 [1, 2] : vector<1x1024x1xf32> to vector<1xf32>
      %reduce_sum3A_87 = vector.shape_cast %reduce_sum3A_86 : vector<1xf32> to vector<1x1x1xf32>
      %reduce_sum3A_88 = vector.extract %reduce_sum3A_87[0, 0, 0] : f32 from vector<1x1x1xf32>
      %broadcast_in_dim3A_89 = vector.broadcast %reduce_sum3A_88 : f32 to vector<1x1xf32>
      %neg3A = arith.constant 0.000000e+00 : f32
      %neg3A_90 = vector.broadcast %neg3A : f32 to vector<1x1xf32>
      %neg3A_91 = arith.subf %neg3A_90, %broadcast_in_dim3A_89 : vector<1x1xf32>
      %exp3A = math.exp %neg3A_91 : vector<1x1xf32>
      %swap3A_92 = arith.constant 0 : index
      %swap3A_93 = arith.constant 0 : index
      %swap3A_94 = vector.load %arg5[%swap3A_92, %swap3A_93] : memref<1x1xf32, #tpu.memory_space<vmem>>, vector<1x1xf32>
      tpu.vector_store %arg5[%swap3A_92, %swap3A_93], %exp3A {strides = array<i32>} : memref<1x1xf32, #tpu.memory_space<vmem>>, vector<1x1xf32>,
    } else {
    }
    return
  }
  func.func @transform_0(%arg0: i32) -> (i32, i32, i32) {
    %c0_i32 = arith.constant 0 : i32
    %c0_i32_0 = arith.constant 0 : i32
    %c0_i32_1 = arith.constant 0 : i32
    return %arg0, %c0_i32, %c0_i32_0 : i32, i32, i32
  }
  func.func @transform_1(%arg0: i32) -> (i32, i32) {
    %c0_i32 = arith.constant 0 : i32
    %c0_i32_0 = arith.constant 0 : i32
    %c0_i32_1 = arith.constant 0 : i32
    return %c0_i32, %c0_i32_0 : i32, i32
  }
  func.func @transform_2(%arg0: i32) -> (i32, i32, i32) {
    %c0_i32 = arith.constant 0 : i32
    %c0_i32_0 = arith.constant 0 : i32
    %c0_i32_1 = arith.constant 0 : i32
    return %arg0, %c0_i32, %c0_i32_0 : i32, i32, i32
  }
  func.func @transform_3(%arg0: i32) -> (i32, i32) {
    %c0_i32 = arith.constant 0 : i32
    %c0_i32_0 = arith.constant 0 : i32
    %c0_i32_1 = arith.constant 0 : i32
    return %c0_i32, %c0_i32_0 : i32, i32
  }
  func.func @transform_4(%arg0: i32) -> (i32, i32) {
    %c0_i32 = arith.constant 0 : i32
    %c0_i32_0 = arith.constant 0 : i32
    %c0_i32_1 = arith.constant 0 : i32
    return %c0_i32, %c0_i32_0 : i32, i32
  }
}

</mosaic_0001>

<sc_bundles>
// kernel: kernel.4.cloned.1.call-start
scs
__scs_entry_jumppad:
0x0: {  	(pc) =	sbr.rel $0x88, $3  }
0x1: {  	(tag) =	ssettag $0x0;
	lr =	simm.s32 $0x1  }
0x2: {  	[smem:$0x3F9F] =	sst lr;
	_ =	strace $0xD0000000  }
0x3: {  	_ = 	snop  }
0x4: {  	_ = 	snop  }
0x5: {  	_ = 	snop  }
0x6: {  	_ = 	snop  }
0x7: {  	_ = 	snop  }
__scs_overlays_trampoline_lowered:
0x8: {  	[smem:$0x3FAE] =	sst s0  }
0x9: {  	[smem:$0x3FAF] =	sst s1  }
0xa: {  	[smem:$0x3FB0] =	sst s2  }
0xb: {  	[smem:$0x3FB1] =	sst s3  }
0xc: {  	[smem:$0x3FB2] =	sst s4  }
0xd: {  	[smem:$0x3FB3] =	sst s5  }
0xe: {  	[smem:$0x3FB4] =	sst s6  }
0xf: {  	[smem:$0x3FB5] =	sst s7  }
0x10: {  	[smem:$0x3FB6] =	sst s8  }
0x11: {  	[smem:$0x3FB7] =	sst s9;
	s0 =	simm.s32 @!p0 $0x0  }
0x12: {  	s1 =	sld [smem:$0x3F9D];
	s0 =	simm.s32 @p0 $0x1  }
0x13: {  	[smem:$0x3FB8] =	sst s0;
	s0 =	simm.s32 @!p1 $0x0  }
0x14: {  	s2 =	sld [smem:$0x3F9C];
	s0 =	simm.s32 @p1 $0x1  }
0x15: {  	[smem:$0x3FB9] =	sst s0;
	s0 =	simm.s32 @!p2 $0x0  }
0x16: {  	s3 =	sld [smem:$0x3FDB];
	s0 =	simm.s32 @p2 $0x1  }
0x17: {  	s4 =	simm.s32 $0x1BF5;
	[smem:$0x3FBB] =	sst s0  }
0x18: {  	s0 =	sld [smem:$0x3F9E];
	_ =	swait.ge [sflag:s4], $0x0  }
0x19: {  	s7 =	sld [smem:$0x3F9F]  }
0x1a: {  	s8 =	sadd.s32 $0xFFFFE003, lr  }
0x1b: {  	s9 =	sadd.s32 $0xFFFFFEF7, lr;
	s5 =	simm.s32 $0xFFFFFFFF;
	p2 =	slt.u32 s8, $0xFFFFF086  }
0x1c: {  	p1 =	slt.u32 s9, $0xF7A;
	s5 =	simm.s32 @!p2 $0x0  }
0x1d: {  	s5 =	simm.s32 @p1 $0x1;
	p0 =	seq.s32 s7, s2  }
0x1e: {  	s7 =	smul.u32 @!p0 $0xF7A, s2;
	p2 =	seq.s32 @!p0 s5, $0x0  }
0x1f: {  	s9 =	smul.u32 $0xF7A, s1;
	s8 =	simm.s32 @!p0 $0x1BF5;
	p2 =	por !p2, p0  }
0x20: {  	[sflag:s8] =	ssyncset.s32 @!p0 $0xFFFFF086;
	s6 =	sadd.s32 @!p0 s3, s7;
	s7 =	simm.s32 @!p0 $0x108  }
0x21: {  	s3 =	sadd.s32 s3, s9;
	s6 =	sadd.s32 @!p0 $0x88, s6;
	s7 =	simm.s32 @p2 $0x1082  }
0x22: {  	[simem:s7], [sflag:s8] =	dma.local @!p0 [hbm:s6], $0xF7A  }
0x23: {  	s9 =	sor.u32 $0xD0000000, s2;
	s6 =	simm.s32 $0x108;
	_ =	swait.ge @!p0 [sflag:s8], $0x0  }
0x24: {  	s3 =	sadd.s32 $0x88, s3;
	s6 =	simm.s32 @!p1 $0x1082;
	[sflag:s4] =	ssyncset.s32 $0xFFFFF086  }
0x25: {  	[simem:s6], [sflag:s4] =	dma.local [hbm:s3], $0xF7A  }
0x26: {  	[smem:$0x3F9F] =	sst s1;
	(tag) =	ssettag s2;
	_ =	strace s9  }
0x27: {  	s1 =	sld [smem:$0x3FAF]  }
0x28: {  	s2 =	sld [smem:$0x3FB0]  }
0x29: {  	s4 =	sld [smem:$0x3FB2]  }
0x2a: {  	p0 =	seq.s32 s5, $0x0;
	s5 =	sld [smem:$0x3FB3]  }
0x2b: {  	s6 =	sld [smem:$0x3FB4]  }
0x2c: {  	s7 =	sld [smem:$0x3FB5]  }
0x2d: {  	s3 =	simm.s32 $0x108;
	s8 =	sld [smem:$0x3FB6]  }
0x2e: {  	s3 =	simm.s32 @!p0 $0x1082;
	s9 =	sld [smem:$0x3FB7]  }
0x2f: {  	lr =	sadd.s32 s0, s3;
	s0 =	sld [smem:$0x3FAE]  }
0x30: {  	s3 =	sld [smem:$0x3FB1]  }
0x31: {  	[smem:$0x3FBA] =	sst s10  }
0x32: {  	s10 =	sld [smem:$0x3FB8];
	_ =	sdelay $0x3  }
0x33: {  	p0 =	seq.s32 s10, $0x1;
	s10 =	sld [smem:$0x3FBA];
	_ =	sdelay $0x3  }
0x34: {  	[smem:$0x3FBA] =	sst s10  }
0x35: {  	s10 =	sld [smem:$0x3FB9];
	_ =	sdelay $0x3  }
0x36: {  	p1 =	seq.s32 s10, $0x1;
	s10 =	sld [smem:$0x3FBA];
	_ =	sdelay $0x3  }
0x37: {  	[smem:$0x3FBA] =	sst s10  }
0x38: {  	s10 =	sld [smem:$0x3FBB]  }
0x39: {  	_ = 	snop;
	(pc) =	sbr.ind lr, $3  }
0x3a: {  	_ = 	snop  }
0x3b: {  	_ = 	snop  }
0x3c: {  	p2 =	seq.s32 s10, $0x1;
	s10 =	sld [smem:$0x3FBA]  }
0x3d: {  	_ =	shalt  }
0x3e: {  	_ =	shalt  }
0x3f: {  	_ =	shalt  }
0x40: {  	_ =	shalt  }
0x41: {  	_ =	shalt  }
0x42: {  	_ =	shalt  }
0x43: {  	_ =	shalt  }
0x44: {  	_ =	shalt  }
0x45: {  	_ =	shalt  }
0x46: {  	_ =	shalt  }
0x47: {  	_ =	shalt  }
0x48: {  	_ =	shalt  }
0x49: {  	_ =	shalt  }
0x4a: {  	_ =	shalt  }
0x4b: {  	_ =	shalt  }
0x4c: {  	_ =	shalt  }
0x4d: {  	_ =	shalt  }
0x4e: {  	_ =	shalt  }
0x4f: {  	_ =	shalt  }
0x50: {  	_ =	shalt  }
0x51: {  	_ =	shalt  }
0x52: {  	_ =	shalt  }
0x53: {  	_ =	shalt  }
0x54: {  	_ =	shalt  }
0x55: {  	_ =	shalt  }
0x56: {  	_ =	shalt  }
0x57: {  	_ =	shalt  }
0x58: {  	_ =	shalt  }
0x59: {  	_ =	shalt  }
0x5a: {  	_ =	shalt  }
0x5b: {  	_ =	shalt  }
0x5c: {  	_ =	shalt  }
0x5d: {  	_ =	shalt  }
0x5e: {  	_ =	shalt  }
0x5f: {  	_ =	shalt  }
0x60: {  	_ =	shalt  }
0x61: {  	_ =	shalt  }
0x62: {  	_ =	shalt  }
0x63: {  	_ =	shalt  }
0x64: {  	_ =	shalt  }
0x65: {  	_ =	shalt  }
0x66: {  	_ =	shalt  }
0x67: {  	_ =	shalt  }
0x68: {  	_ =	shalt  }
0x69: {  	_ =	shalt  }
0x6a: {  	_ =	shalt  }
0x6b: {  	_ =	shalt  }
0x6c: {  	_ =	shalt  }
0x6d: {  	_ =	shalt  }
0x6e: {  	_ =	shalt  }
0x6f: {  	_ =	shalt  }
0x70: {  	_ =	shalt  }
0x71: {  	_ =	shalt  }
0x72: {  	_ =	shalt  }
0x73: {  	_ =	shalt  }
0x74: {  	_ =	shalt  }
0x75: {  	_ =	shalt  }
0x76: {  	_ =	shalt  }
0x77: {  	_ =	shalt  }
0x78: {  	_ =	shalt  }
0x79: {  	_ =	shalt  }
0x7a: {  	_ =	shalt  }
0x7b: {  	_ =	shalt  }
0x7c: {  	_ =	shalt  }
0x7d: {  	_ =	shalt  }
0x7e: {  	_ =	shalt  }
0x7f: {  	_ =	shalt  }
0x80: {  	_ =	shalt  }
0x81: {  	_ =	shalt  }
0x82: {  	_ =	shalt  }
0x83: {  	_ =	shalt  }
0x84: {  	_ =	shalt  }
0x85: {  	_ =	shalt  }
0x86: {  	_ =	shalt  }
0x87: {  	_ =	shalt  }
.Lfunc_end0:
.L_simem_size_0:
called_computation_lowered:
.L_overlay_start_0:
0x88: {  	s2 =	sld [smem:$0x3FD9]  }
0x89: {  	s3 =	sld [smem:$0x3FFE];
	_ =	sdelay $0x1  }
0x8a: {  	s1 =	srdreg.scid  }
0x8b: {  	s0 =	sand.u32 $0x1, s1  }
0x8c: {  	s16 =	sshll.u32 s0, $0xA;
	s2 =	sadd.s32 s3, s2  }
0x8d: {  	s2 =	sadd.s32 s2, s16  }
0x8e: {  	[smem:$0x3FC6] =	sst s2  }
0x8f: {  	_ = 	snop  }
0x90: {  	(tm) =	ssettm $0x1  }
0x91: {  	s17 =	sld [smem:$0x3FFB];
	_ =	sdelay $0x3  }
0x92: {  	_ =	strace s17  }
0x93: {  	s2 =	sld [smem:$0x3FFC];
	_ =	sdelay $0x3  }
0x94: {  	_ =	strace s2  }
0x95: {  	s2 =	sld [smem:$0x3FFD];
	_ =	sdelay $0x3  }
0x96: {  	_ =	strace s2  }
0x97: {  	_ =	strace $0x8FFFFFFF  }
0x98: {  	s18 =	sld [smem:$0x3FDB];
	_ =	sdelay $0x1  }
0x99: {  	s19 =	simm.s32 $_scs_section_size  }
0x9a: {  	s4 =	simm.s32 $_size__tile_overlayer_lowered;
	s5 =	simm.s32 $_tile_overlayer_lowered  }
0x9b: {  	s22 =	simm.s32 $0x1BFF;
	s21 =	sshll.u32 s5, $0x1;
	s2 =	sadd.s32 s19, s18  }
0x9c: {  	s6 =	simm.s32 $0x0;
	s20 =	sshll.u32 s4, $0x1;
	s4 =	sadd.s32 s21, s2  }
0x9d: {  	[timem:s6], [sflag:s22] =	dma.local [hbm:s4], s20  }
0x9e: {  	_ =	swait.ge [sflag:s22], s20  }
0x9f: {  	s3 =	ssub.s32 $0x0, s20;
	[sflag:s22] =	ssyncset.done $0x0  }
0xa0: {  	[sflag:s22] =	ssyncadd.s32 s3;
	_ =	sdelay $0x1  }
0xa1: {  	s23 =	simm.s32 $0x1B8B  }
0xa2: {  	_ =	swait.ge [sflag:s23], $0x1  }
0xa3: {  	[sflag:s23] =	ssyncset.done $0x0  }
0xa4: {  	s25 =	simm.s32 $0x1B8E;
	s24 =	sld [smem:$0x3FFE];
	[sflag:s23] =	ssyncadd.s32 $0xFFFFFFFF  }
0xa5: {  	s26 =	simm.s32 $execute0_lowered;
	[smem:$0x3FD2] =	sst s25  }
0xa6: {  	s4 =	sshll.u32 s26, $0x1;
	_ =	strace $0x80000046;
	[dreg:$0x1] =	wrdreg $0xFFFFFFFF  }
0xa7: {  	s28 =	simm.s32 $_size_execute0_lowered;
	s2 =	sadd.s32 s2, s4;
	[dreg:$0x0] =	wrdreg $0x0  }
0xa8: {  	s4 =	sshll.u32 s28, $0x1;
	[dreg:$0x2] =	wrdreg s2  }
0xa9: {  	[dreg:$0x3] =	wrdreg s4  }
0xaa: {  	[dreg:$0x4] =	wrdreg $0xC0  }
0xab: {  	_ =	task [dreg:s6], $0x5FFFF  }
0xac: {  	[dreg:$0x1] =	wrdreg $0xFFFFFFFF  }
0xad: {  	[dreg:$0x0] =	wrdreg $0x60  }
0xae: {  	[dreg:$0x2] =	wrdreg s24  }
0xaf: {  	[dreg:$0x3] =	wrdreg $0x9  }
0xb0: {  	_ =	task.clear_ibuf [dreg:s6], $0x4FFFF;
	_ =	strace $0x90000046  }
0xb1: {  	s29 =	simm.s32 $0x9;
	_ =	strace $0x80000048  }
0xb2: {  	_ =	swait.ge [sflag:s29], $0x1  }
0xb3: {  	[sflag:s29] =	ssyncadd.s32 $0xFFFFFFFF  }
0xb4: {  	_ =	strace $0x90000048  }
0xb5: {  	_ =	sfence  }
0xb6: {  	s30 =	sld [smem:$0x0];
	_ =	sdelay $0x2  }
0xb7: {  	s31 =	sshll.u32 s1, $0xD;
	s1 =	sshrl.u32 s1, $0x2  }
0xb8: {  	s3 =	sand.u32 $0x4000, s31;
	s1 =	sadd.s32 s1, s30  }
0xb9: {  	s0 =	sor.u32 s3, s0;
	s1 =	sshll.u32 s1, $0x11  }
0xba: {  	s0 =	sor.u32 s1, s0  }
0xbb: {  	s0 =	sadd.s32 $0x8F2B, s0  }
0xbc: {  	[sflag:s0] =	ssyncadd.remote.s32 $0x1  }
0xbd: {  	_ =	sfence.sel $0xFFFF  }
0xbe: {  	[dreg:$0x0] =	wrdreg $0xFFFFFFFF;
	(pc) =	sbr.abs _section_cstart, $3  }
0xbf: {  	[dreg:$0x1] =	wrdreg $0xFFFFFFFF  }
0xc0: {  	_ =	task.clear_ibuf [dreg:s6], $0x2FFFF;
	_ =	strace $0x9FFFFFFF  }
0xc1: {  	(tm) =	ssettm $0x7FFFFFFF  }
tec
execute0_lowered:
.L_overlay_start_1:
0x0: {  	(tag) =	ssettag $0x1  }
0x1: {  	s0 =	srdreg.scid;
	s3 =	rddreg [dreg:$0x0]  }
0x2: {  	s1 =	stileid.u32;
	s2 =	simm.s32 $0x0;
	s4 =	sand.u32 $0x1, s0  }
0x3: {  	s0 =	rddreg [dreg:$0x1];
	s5 =	sshll.u32 s4, $0x4;
	s4 =	ssub.s32 $0x2, s4  }
0x4: {  	s31 =	sshll.u32 s1, $0x5;
	s6 =	sshll.u32 s1, $0x7;
	s7 =	sshrl.u32 s4, $0x1  }
0x5: {  	[smem:$0x7FF] =	sst s2;
	s6 =	sand.u32 $0x600, s6;
	s4 =	ssub.s32 s4, s7  }
0x6: {  	s3 =	sadd.s32 s5, s3;
	s5 =	sand.u32 $0x60, s31;
	s7 =	smax.u32 s4, $0x1  }
0x7: {  	_ =	strace $0x80000047;
	s3 =	sadd.s32 s5, s3;
	p0 =	sne.s32 s7, $0x1  }
.Ltmp0:
0x8: {  	s5 =	simm.s32 $0x1;
	s3 =	sadd.s32 s6, s3;
	(pc) =	sbr.rel @!p0 .LBB2_2-.Ltmp0, $4  }
0x9: {  	s4 =	simm.s32 $0x80;
	s6 =	simm.s32 $0x400;
	s3 =	sadd.s32 $0x2600, s3  }
0xa: {  	[tilespmem:s2], [sflag:$0x1] =	stream.strided.gather [hbm4b:s3+s4], $0x200, s6, s4, $0x38;
	[tilespmem:$0x200] =	vst v63  }
0xb: {  	_ =	swait.ge [sflag:s5], $0x200  }
0xc: {  	s7 =	sadd.s32 $0xFFFFFFFF, s7;
	[sflag:s5] =	ssyncset.done $0x0  }
.LBB2_1:
0xd: {  	p0 =	sne.s32 s7, $0x1;
	s7 =	sadd.s32 $0xFFFFFFFF, s7;
	[sflag:s5] =	ssyncadd.s32 $0xFFFFFE00  }
.Ltmp1:
0xe: {  	(pc) =	sbr.rel @p0 .LBB2_1-.Ltmp1, $4  }
0xf: {  	_ = 	snop  }
0x10: {  	[tilespmem:s2], [sflag:$0x1] =	stream.strided.gather [hbm4b:s3+s4], $0x200, s6, s4, $0x38;
	[tilespmem:$0x200] =	vst v63  }
0x11: {  	_ =	swait.ge [sflag:s5], $0x200  }
0x12: {  	[sflag:s5] =	ssyncset.done $0x0  }
.LBB2_2:
0x13: {  	[sflag:s5] =	ssyncadd.s32 $0xFFFFFE00  }
0x14: {  	_ =	sfence.sel $0x180000  }
0x15: {  	[bflag:$0x0] =	sbarrier.arrive $0xFFFF  }
0x16: {  	p0 =	sne.s32 s1, $0x0;
	_ =	strace $0x90000047  }
0x17: {  	s0 =	sadd.s32 @!p0 $0x100000, s0;
	[bflag:$0x2] =	sbarrier.arrive $0xFFFF  }
0x18: {  	[sflag:s0] =	ssyncadd.tile.s32 @!p0 $0x1;
	_ =	shalt  }
.Lfunc_end2:
_tile_overlayer_lowered:
.L_overlay_start_2:
0x19: {  	(tag) =	ssettag $0x2  }
0x1a: {  	s0 =	rddreg [dreg:$0x0];
	s2 =	stileid.u32  }
0x1b: {  	s1 =	rddreg [dreg:$0x1];
	p0 =	sne.s32 s2, $0x0  }
0x1c: {  	s3 =	rddreg [dreg:$0x2];
	[bflag:$0x3] =	sbarrier.arrive $0xFFFF;
	s2 =	simm.s32 @!p0 $0x1C01  }
0x1d: {  	[timem:s3], [sflag:s2] =	dma.local @!p0 [hbm:s0], s1  }
0x1e: {  	s0 =	simm.s32 @!p0 $0x1  }
0x1f: {  	_ =	swait.ge @!p0 [sflag:s0], s1  }
0x20: {  	s1 =	ssub.s32 @!p0 $0x0, s1;
	[sflag:s0] =	ssyncset.done @!p0 $0x0  }
0x21: {  	[sflag:s0] =	ssyncadd.s32 @!p0 s1  }
0x22: {  	[bflag:$0x3] =	sbarrier.arrive $0xFFFF  }
0x23: {  	_ =	shalt  }

</sc_bundles>
